<compile_context>
chip_gen: v7x
topology: tpu7x:2x2x1
jax: 0.10.2.dev20260603
libtpu: 0.0.44.dev20260713+nightly
codegen_flags: <defaults>
</compile_context>

<pallas_src>
import functools

import jax
import jax.numpy as jnp
from jax import lax
from jax.experimental import pallas as pl
from jax.experimental.pallas import tpu as pltpu
from jax.experimental.pallas import tpu_sc as plsc

_NC = 2
_NS = 16
_SEG = 128


def _sc_gather_body(tbl_ref, tgt_ref, out_ref, tgt_v, idx_v, rows_v, sem, *, n):
    rpw = tgt_v.shape[0]
    nw = tgt_ref.shape[0] // rpw
    wid = lax.axis_index("s") * _NC + lax.axis_index("c")

    @pl.when(wid < nw)
    def _():
        base = wid * rpw
        pltpu.sync_copy(tgt_ref.at[pl.ds(base, rpw)], tgt_v)
        t = tgt_v[...]
        lane = lax.iota(jnp.int32, 16)
        flat = (lane + base) * n + t
        idx_v[...] = flat >> 7
        pltpu.async_copy(tbl_ref.at[idx_v], rows_v, sem).wait()
        pltpu.sync_copy(rows_v, out_ref.at[pl.ds(base, rpw)])


def _count_body(g_ref, tgt_ref, x_ref, out_ref, tacc, gt_acc, eq_acc,
                *, n, w, nb, b_rows):
    b = pl.program_id(0)
    tgt = tgt_ref[...]

    @pl.when(b == 0)
    def _():
        row = jax.lax.broadcasted_iota(jnp.int32, (b_rows, 1), 0)
        off = (row * n + tgt) & (_SEG - 1)
        colid = jax.lax.broadcasted_iota(jnp.int32, (b_rows, _SEG), 1)
        tacc[...] = jnp.sum(jnp.where(colid == off, g_ref[...], 0.0),
                            axis=1, keepdims=True)
        gt_acc[...] = jnp.zeros_like(gt_acc)
        eq_acc[...] = jnp.zeros_like(eq_acc)

    x = x_ref[...]
    col = jax.lax.broadcasted_iota(jnp.int32, x.shape, 1) + b * w
    t = tacc[...]
    valid = col < n
    gt = (x > t) & valid
    eq = (x == t) & (col < tgt)
    gt_acc[...] += jnp.sum(gt.astype(jnp.int32), axis=1, keepdims=True)
    eq_acc[...] += jnp.sum(eq.astype(jnp.int32), axis=1, keepdims=True)

    @pl.when(b == nb - 1)
    def _():
        rank = (1 + gt_acc[...] + eq_acc[...]).astype(jnp.float32)
        out_ref[0, 0] = jnp.sum(1.0 / rank) * (1.0 / b_rows)


@jax.jit
def kernel(logits, targets):
    if targets.ndim == 2:
        targets = jnp.squeeze(targets, axis=1)
    b_rows, n = logits.shape
    tgt = targets.astype(jnp.int32)

    rpw = 16
    tbl = logits.reshape(b_rows * n // _SEG, _SEG)
    sc_gather = pl.kernel(
        functools.partial(_sc_gather_body, n=n),
        out_type=jax.ShapeDtypeStruct((b_rows, _SEG), jnp.float32),
        mesh=plsc.VectorSubcoreMesh(core_axis_name="c", subcore_axis_name="s"),
        scratch_types=[
            pltpu.VMEM((rpw,), jnp.int32),
            pltpu.VMEM((rpw,), jnp.int32),
            pltpu.VMEM((rpw, _SEG), jnp.float32),
            pltpu.SemaphoreType.DMA,
        ],
    )
    segs = sc_gather(tbl, tgt)

    w = 8192
    nb = (n + w - 1) // w
    out = pl.pallas_call(
        functools.partial(_count_body, n=n, w=w, nb=nb, b_rows=b_rows),
        grid=(nb,),
        in_specs=[
            pl.BlockSpec((b_rows, _SEG), lambda b: (0, 0)),
            pl.BlockSpec((b_rows, 1), lambda b: (0, 0)),
            pl.BlockSpec((b_rows, w), lambda b: (0, b)),
        ],
        out_specs=pl.BlockSpec(memory_space=pltpu.SMEM),
        out_shape=jax.ShapeDtypeStruct((1, 1), jnp.float32),
        scratch_shapes=[
            pltpu.VMEM((b_rows, 1), jnp.float32),
            pltpu.VMEM((b_rows, 1), jnp.int32),
            pltpu.VMEM((b_rows, 1), jnp.int32),
        ],
    )(segs, tgt.reshape(b_rows, 1), logits)
    return out[0, 0]

# --- scband reference (transcript-rebuilt; emitter-appended) ---
"""Pipeline reference for scband-mrr-30459908063369 (READ-ONLY COPY).

The authoritative reference and input builder live on the scoring server;
editing this copy changes nothing except your own understanding.
"""

import jax, jax.numpy as jnp
import numpy as np


def setup_inputs(seed: int = 0) -> dict:
    key = jax.random.key(seed)
    k1, k2 = jax.random.split(key)
    logits = jax.random.normal(k1, (128, 100000), dtype=jnp.float32)
    targets = jax.random.randint(k2, (128,), 0, 100000)
    return {"logits": logits, "targets": targets}


def reference(logits, targets):
    if targets.ndim == 2:
        targets = jnp.squeeze(targets, axis=1)
    # argsort descending (equivalent to torch.argsort(descending=True))
    ranked_indices = jnp.argsort(-logits, axis=-1)
    # position of the target class in the ranked list; exactly one match per row
    matches = ranked_indices == targets[:, None]
    target_ranks = jnp.argmax(matches, axis=1) + 1
    reciprocal_ranks = 1.0 / target_ranks.astype(jnp.float32)
    mrr = reciprocal_ranks.mean()
    return mrr

if __name__ == "__main__":
    import jax
    _d = setup_inputs()
    print(jax.jit(kernel)(*tuple(_d.values())))

</pallas_src>

<mosaic_0001>
#map = affine_map<(d0, d1) -> (0, 0)>
#map1 = affine_map<(d0, d1) -> (0)>
module attributes {stable_mosaic.version = 14 : i64} {
  func.func @_sc_gather_body(%arg0: i32, %arg1: i32, %arg2: memref<100000x128xf32, #tpu.memory_space<hbm>>, %arg3: memref<128xi32, #tpu.memory_space<hbm>>, %arg4: memref<128x128xf32, #tpu.memory_space<hbm>>, %arg5: memref<16xi32, #tpu.memory_space<vmem>>, %arg6: memref<16xi32, #tpu.memory_space<vmem>>, %arg7: memref<16x128xf32, #tpu.memory_space<vmem>>, %arg8: memref<!tpu.dma_semaphore, #tpu.memory_space<semaphore_mem>>) attributes {dimension_semantics = [#tpu.dimension_semantics<core_parallel>, #tpu.dimension_semantics<subcore_parallel>], iteration_bounds = array<i64: 2, 16>, scalar_prefetch = 0 : i64, scratch_operands = 4 : i64, tpu.core_type = #tpu.core_type<sc_vector_subcore>, window_params = [{transform_indices = #map}, {transform_indices = #map1}, {transform_indices = #map}]} {
    %mul3A = arith.constant 2 : i32
    %mul3A_0 = arith.muli %arg1, %mul3A : i32
    %add3A = arith.addi %mul3A_0, %arg0 : i32
    %lt3A = arith.constant 8 : i32
    %lt3A_1 = arith.cmpi slt, %add3A, %lt3A : i32
    %convert_element_type3A = arith.extui %lt3A_1 : i1 to i32
    %cond3A = arith.constant 0 : i32
    %cond3A_2 = arith.cmpi ne, %convert_element_type3A, %cond3A : i32
    scf.if %cond3A_2 {
      %mul3A_3 = arith.constant 16 : i32
      %mul3A_4 = arith.muli %add3A, %mul3A_3 : i32
      "tpu.region"() ({
        %run_scoped3A = tpu.sem_alloc : memref<!tpu.dma_semaphore, #tpu.memory_space<semaphore_mem>>
        %dma_start3A_22 = tpu.memref_slice %arg3[%mul3A_4] : memref<128xi32, #tpu.memory_space<hbm>> -> memref<16xi32, #tpu.memory_space<hbm>>
        %dma_start3A_23 = tpu.memref_slice %arg3[%mul3A_4] : memref<128xi32, #tpu.memory_space<hbm>> -> memref<16xi32, #tpu.memory_space<hbm>>
        tpu.enqueue_dma source(%dma_start3A_23 : memref<16xi32, #tpu.memory_space<hbm>>) target(%arg5 : memref<16xi32, #tpu.memory_space<vmem>>) target_semaphore(%run_scoped3A : memref<!tpu.dma_semaphore, #tpu.memory_space<semaphore_mem>>)
        %dma_wait3A_24 = tpu.memref_slice %arg3[%mul3A_4] : memref<128xi32, #tpu.memory_space<hbm>> -> memref<16xi32, #tpu.memory_space<hbm>>
        %dma_wait3A_25 = tpu.memref_slice %arg3[%mul3A_4] : memref<128xi32, #tpu.memory_space<hbm>> -> memref<16xi32, #tpu.memory_space<hbm>>
        tpu.wait_dma2 semaphore(%run_scoped3A : memref<!tpu.dma_semaphore, #tpu.memory_space<semaphore_mem>>) src(%dma_wait3A_25 : memref<16xi32, #tpu.memory_space<hbm>>) dst(%arg5 : memref<16xi32, #tpu.memory_space<vmem>>)
        tpu.yield
      }) : () -> ()
      %get3A = arith.constant 0 : index
      %get3A_5 = tpu.vector_load %arg5[%get3A] {strides = array<i32>} : memref<16xi32, #tpu.memory_space<vmem>>, vector<16xi32>,
      %get3A_6 = vector.shape_cast %get3A_5 : vector<16xi32> to vector<16xi32>
      %iota3A = tpu.iota {dimensions = array<i32: 0>} : vector<16xi32>
      %add3A_7 = vector.broadcast %mul3A_4 : i32 to vector<16xi32>
      %add3A_8 = arith.addi %iota3A, %add3A_7 : vector<16xi32>
      %mul3A_9 = arith.constant 100000 : i32
      %mul3A_10 = vector.broadcast %mul3A_9 : i32 to vector<16xi32>
      %mul3A_11 = arith.muli %add3A_8, %mul3A_10 : vector<16xi32>
      %add3A_12 = arith.addi %mul3A_11, %get3A_6 : vector<16xi32>
      %shift_right_arithmetic3A = arith.constant 7 : i32
      %shift_right_arithmetic3A_13 = vector.broadcast %shift_right_arithmetic3A : i32 to vector<16xi32>
      %shift_right_arithmetic3A_14 = arith.shrsi %add3A_12, %shift_right_arithmetic3A_13 : vector<16xi32>
      %swap3A = arith.constant 0 : index
      %swap3A_15 = tpu.vector_load %arg6[%swap3A] {strides = array<i32>} : memref<16xi32, #tpu.memory_space<vmem>>, vector<16xi32>,
      %swap3A_16 = vector.shape_cast %swap3A_15 : vector<16xi32> to vector<16xi32>
      %swap3A_17 = vector.shape_cast %shift_right_arithmetic3A_14 : vector<16xi32> to vector<16xi32>
      tpu.vector_store %arg6[%swap3A], %swap3A_17 {strides = array<i32>} : memref<16xi32, #tpu.memory_space<vmem>>, vector<16xi32>,
      %dma_start3A = arith.constant 0 : i32
      %dma_start3A_18 = arith.constant 0 : i32
      %dma_start3A_19 = tpu.memref_slice %arg2[%dma_start3A, %dma_start3A_18] : memref<100000x128xf32, #tpu.memory_space<hbm>> -> memref<100000x128xf32, #tpu.memory_space<hbm>>
      tpu.enqueue_indirect_dma source(%dma_start3A_19 : memref<100000x128xf32, #tpu.memory_space<hbm>>) target(%arg7 : memref<16x128xf32, #tpu.memory_space<vmem>>) offsets(%arg6 : memref<16xi32, #tpu.memory_space<vmem>>) semaphore(%arg8 : memref<!tpu.dma_semaphore, #tpu.memory_space<semaphore_mem>>)
      %dma_wait3A = arith.constant 0 : i32
      %dma_wait3A_20 = arith.constant 0 : i32
      %dma_wait3A_21 = tpu.memref_slice %arg2[%dma_wait3A, %dma_wait3A_20] : memref<100000x128xf32, #tpu.memory_space<hbm>> -> memref<100000x128xf32, #tpu.memory_space<hbm>>
      tpu.wait_indirect_dma semaphore(%arg8 : memref<!tpu.dma_semaphore, #tpu.memory_space<semaphore_mem>>) src(%dma_wait3A_21 : memref<100000x128xf32, #tpu.memory_space<hbm>>) dst(%arg7 : memref<16x128xf32, #tpu.memory_space<vmem>>)
      "tpu.region"() ({
        %run_scoped3A = tpu.sem_alloc : memref<!tpu.dma_semaphore, #tpu.memory_space<semaphore_mem>>
        %dma_start3A_22 = arith.constant 0 : i32
        %dma_start3A_23 = tpu.memref_slice %arg4[%mul3A_4, %dma_start3A_22] : memref<128x128xf32, #tpu.memory_space<hbm>> -> memref<16x128xf32, #tpu.memory_space<hbm>>
        %dma_start3A_24 = arith.constant 0 : i32
        %dma_start3A_25 = tpu.memref_slice %arg4[%mul3A_4, %dma_start3A_24] : memref<128x128xf32, #tpu.memory_space<hbm>> -> memref<16x128xf32, #tpu.memory_space<hbm>>
        tpu.enqueue_dma source(%arg7 : memref<16x128xf32, #tpu.memory_space<vmem>>) target(%dma_start3A_25 : memref<16x128xf32, #tpu.memory_space<hbm>>) target_semaphore(%run_scoped3A : memref<!tpu.dma_semaphore, #tpu.memory_space<semaphore_mem>>)
        %dma_wait3A_26 = arith.constant 0 : i32
        %dma_wait3A_27 = tpu.memref_slice %arg4[%mul3A_4, %dma_wait3A_26] : memref<128x128xf32, #tpu.memory_space<hbm>> -> memref<16x128xf32, #tpu.memory_space<hbm>>
        %dma_wait3A_28 = arith.constant 0 : i32
        %dma_wait3A_29 = tpu.memref_slice %arg4[%mul3A_4, %dma_wait3A_28] : memref<128x128xf32, #tpu.memory_space<hbm>> -> memref<16x128xf32, #tpu.memory_space<hbm>>
        tpu.wait_dma2 semaphore(%run_scoped3A : memref<!tpu.dma_semaphore, #tpu.memory_space<semaphore_mem>>) src(%arg7 : memref<16x128xf32, #tpu.memory_space<vmem>>) dst(%dma_wait3A_29 : memref<16x128xf32, #tpu.memory_space<hbm>>)
        tpu.yield
      }) : () -> ()
    } else {
    }
    return
  }
}

module attributes {stable_mosaic.version = 14 : i64} {
  func.func @_count_body(%arg0: i32, %arg1: memref<128x128xf32, #tpu.memory_space<vmem>>, %arg2: memref<128x1xi32, #tpu.memory_space<vmem>>, %arg3: memref<128x8192xf32, #tpu.memory_space<vmem>>, %arg4: memref<1x1xf32, #tpu.memory_space<smem>>, %arg5: memref<128x1xf32, #tpu.memory_space<vmem>>, %arg6: memref<128x1xi32, #tpu.memory_space<vmem>>, %arg7: memref<128x1xi32, #tpu.memory_space<vmem>>) attributes {dimension_semantics = [#tpu.dimension_semantics<arbitrary>], iteration_bounds = array<i64: 13>, scalar_prefetch = 0 : i64, scratch_operands = 3 : i64, tpu.core_type = #tpu.core_type<tc>, window_params = [{pipeline_mode = #tpu.pipeline_mode<synchronous>, transform_indices = @transform_0, window_bounds = array<i64: 128, 128>}, {pipeline_mode = #tpu.pipeline_mode<synchronous>, transform_indices = @transform_1, window_bounds = array<i64: 128, 1>}, {transform_indices = @transform_2, window_bounds = array<i64: 128, 8192>}, {transform_indices = @transform_3, window_bounds = array<i64: 1, 1>}]} {
    %get3A = arith.constant 0 : index
    %get3A_0 = arith.constant 0 : index
    %get3A_1 = vector.load %arg2[%get3A, %get3A_0] : memref<128x1xi32, #tpu.memory_space<vmem>>, vector<128x1xi32>
    %eq3A = arith.constant 0 : i32
    %eq3A_2 = arith.cmpi eq, %arg0, %eq3A : i32
    %convert_element_type3A = arith.extui %eq3A_2 : i1 to i32
    %cond3A = arith.constant 0 : i32
    %cond3A_3 = arith.cmpi ne, %convert_element_type3A, %cond3A : i32
    scf.if %cond3A_3 {
      %iota3A_44 = tpu.iota {dimensions = array<i32: 0>} : vector<128x1xi32>
      %mul3A_45 = arith.constant 100000 : i32
      %mul3A_46 = vector.broadcast %mul3A_45 : i32 to vector<128x1xi32>
      %mul3A_47 = arith.muli %iota3A_44, %mul3A_46 : vector<128x1xi32>
      %add3A_48 = arith.addi %mul3A_47, %get3A_1 : vector<128x1xi32>
      %and3A_49 = arith.constant 127 : i32
      %and3A_50 = vector.broadcast %and3A_49 : i32 to vector<128x1xi32>
      %and3A_51 = arith.andi %add3A_48, %and3A_50 : vector<128x1xi32>
      %iota3A_52 = tpu.iota {dimensions = array<i32: 1>} : vector<128x128xi32>
      %eq3A_53 = vector.broadcast %and3A_51 : vector<128x1xi32> to vector<128x128xi32>
      %eq3A_54 = arith.cmpi eq, %iota3A_52, %eq3A_53 : vector<128x128xi32>
      %get3A_55 = arith.constant 0 : index
      %get3A_56 = arith.constant 0 : index
      %get3A_57 = vector.load %arg1[%get3A_55, %get3A_56] : memref<128x128xf32, #tpu.memory_space<vmem>>, vector<128x128xf32>
      %jit3A = arith.constant 0.000000e+00 : f32
      %broadcast_in_dim3A_58 = vector.broadcast %jit3A : f32 to vector<128x128xf32>
      %select_n3A = arith.select %eq3A_54, %get3A_57, %broadcast_in_dim3A_58 : vector<128x128xi1>, vector<128x128xf32>
      %reduce_sum3A_59 = arith.constant dense<0.000000e+00> : vector<128xf32>
      %reduce_sum3A_60 = vector.multi_reduction <add>, %select_n3A, %reduce_sum3A_59 [1] : vector<128x128xf32> to vector<128xf32>
      %broadcast_in_dim3A_61 = vector.shape_cast %reduce_sum3A_60 : vector<128xf32> to vector<128x1xf32>
      %swap3A_62 = arith.constant 0 : index
      %swap3A_63 = arith.constant 0 : index
      %swap3A_64 = vector.load %arg5[%swap3A_62, %swap3A_63] : memref<128x1xf32, #tpu.memory_space<vmem>>, vector<128x1xf32>
      tpu.vector_store %arg5[%swap3A_62, %swap3A_63], %broadcast_in_dim3A_61 {strides = array<i32>} : memref<128x1xf32, #tpu.memory_space<vmem>>, vector<128x1xf32>,
      %broadcast_in_dim3A_65 = arith.constant 0 : i32
      %broadcast_in_dim3A_66 = vector.broadcast %broadcast_in_dim3A_65 : i32 to vector<128x1xi32>
      %swap3A_67 = arith.constant 0 : index
      %swap3A_68 = arith.constant 0 : index
      %swap3A_69 = vector.load %arg6[%swap3A_67, %swap3A_68] : memref<128x1xi32, #tpu.memory_space<vmem>>, vector<128x1xi32>
      tpu.vector_store %arg6[%swap3A_67, %swap3A_68], %broadcast_in_dim3A_66 {strides = array<i32>} : memref<128x1xi32, #tpu.memory_space<vmem>>, vector<128x1xi32>,
      %broadcast_in_dim3A_70 = arith.constant 0 : i32
      %broadcast_in_dim3A_71 = vector.broadcast %broadcast_in_dim3A_70 : i32 to vector<128x1xi32>
      %swap3A_72 = arith.constant 0 : index
      %swap3A_73 = arith.constant 0 : index
      %swap3A_74 = vector.load %arg7[%swap3A_72, %swap3A_73] : memref<128x1xi32, #tpu.memory_space<vmem>>, vector<128x1xi32>
      tpu.vector_store %arg7[%swap3A_72, %swap3A_73], %broadcast_in_dim3A_71 {strides = array<i32>} : memref<128x1xi32, #tpu.memory_space<vmem>>, vector<128x1xi32>,
    } else {
    }
    %get3A_4 = arith.constant 0 : index
    %get3A_5 = arith.constant 0 : index
    %get3A_6 = vector.load %arg3[%get3A_4, %get3A_5] : memref<128x8192xf32, #tpu.memory_space<vmem>>, vector<128x8192xf32>
    %iota3A = tpu.iota {dimensions = array<i32: 1>} : vector<128x8192xi32>
    %mul3A = arith.constant 8192 : i32
    %mul3A_7 = arith.muli %arg0, %mul3A : i32
    %add3A = vector.broadcast %mul3A_7 : i32 to vector<128x8192xi32>
    %add3A_8 = arith.addi %iota3A, %add3A : vector<128x8192xi32>
    %get3A_9 = arith.constant 0 : index
    %get3A_10 = arith.constant 0 : index
    %get3A_11 = vector.load %arg5[%get3A_9, %get3A_10] : memref<128x1xf32, #tpu.memory_space<vmem>>, vector<128x1xf32>
    %lt3A = arith.constant 100000 : i32
    %lt3A_12 = vector.broadcast %lt3A : i32 to vector<128x8192xi32>
    %lt3A_13 = arith.cmpi slt, %add3A_8, %lt3A_12 : vector<128x8192xi32>
    %gt3A = vector.broadcast %get3A_11 : vector<128x1xf32> to vector<128x8192xf32>
    %gt3A_14 = arith.cmpf ogt, %get3A_6, %gt3A : vector<128x8192xf32>
    %and3A = arith.andi %gt3A_14, %lt3A_13 : vector<128x8192xi1>
    %eq3A_15 = vector.broadcast %get3A_11 : vector<128x1xf32> to vector<128x8192xf32>
    %eq3A_16 = arith.cmpf oeq, %get3A_6, %eq3A_15 : vector<128x8192xf32>
    %lt3A_17 = vector.broadcast %get3A_1 : vector<128x1xi32> to vector<128x8192xi32>
    %lt3A_18 = arith.cmpi slt, %add3A_8, %lt3A_17 : vector<128x8192xi32>
    %and3A_19 = arith.andi %eq3A_16, %lt3A_18 : vector<128x8192xi1>
    %get3A_20 = arith.constant 0 : index
    %get3A_21 = arith.constant 0 : index
    %get3A_22 = vector.load %arg6[%get3A_20, %get3A_21] : memref<128x1xi32, #tpu.memory_space<vmem>>, vector<128x1xi32>
    %convert_element_type3A_23 = arith.extui %and3A : vector<128x8192xi1> to vector<128x8192xi32>
    %reduce_sum3A = arith.constant dense<0> : vector<128xi32>
    %reduce_sum3A_24 = vector.multi_reduction <add>, %convert_element_type3A_23, %reduce_sum3A [1] : vector<128x8192xi32> to vector<128xi32>
    %broadcast_in_dim3A = vector.shape_cast %reduce_sum3A_24 : vector<128xi32> to vector<128x1xi32>
    %add3A_25 = arith.addi %get3A_22, %broadcast_in_dim3A : vector<128x1xi32>
    %swap3A = arith.constant 0 : index
    %swap3A_26 = arith.constant 0 : index
    %swap3A_27 = vector.load %arg6[%swap3A, %swap3A_26] : memref<128x1xi32, #tpu.memory_space<vmem>>, vector<128x1xi32>
    tpu.vector_store %arg6[%swap3A, %swap3A_26], %add3A_25 {strides = array<i32>} : memref<128x1xi32, #tpu.memory_space<vmem>>, vector<128x1xi32>,
    %get3A_28 = arith.constant 0 : index
    %get3A_29 = arith.constant 0 : index
    %get3A_30 = vector.load %arg7[%get3A_28, %get3A_29] : memref<128x1xi32, #tpu.memory_space<vmem>>, vector<128x1xi32>
    %convert_element_type3A_31 = arith.extui %and3A_19 : vector<128x8192xi1> to vector<128x8192xi32>
    %reduce_sum3A_32 = arith.constant dense<0> : vector<128xi32>
    %reduce_sum3A_33 = vector.multi_reduction <add>, %convert_element_type3A_31, %reduce_sum3A_32 [1] : vector<128x8192xi32> to vector<128xi32>
    %broadcast_in_dim3A_34 = vector.shape_cast %reduce_sum3A_33 : vector<128xi32> to vector<128x1xi32>
    %add3A_35 = arith.addi %get3A_30, %broadcast_in_dim3A_34 : vector<128x1xi32>
    %swap3A_36 = arith.constant 0 : index
    %swap3A_37 = arith.constant 0 : index
    %swap3A_38 = vector.load %arg7[%swap3A_36, %swap3A_37] : memref<128x1xi32, #tpu.memory_space<vmem>>, vector<128x1xi32>
    tpu.vector_store %arg7[%swap3A_36, %swap3A_37], %add3A_35 {strides = array<i32>} : memref<128x1xi32, #tpu.memory_space<vmem>>, vector<128x1xi32>,
    %eq3A_39 = arith.constant 12 : i32
    %eq3A_40 = arith.cmpi eq, %arg0, %eq3A_39 : i32
    %convert_element_type3A_41 = arith.extui %eq3A_40 : i1 to i32
    %cond3A_42 = arith.constant 0 : i32
    %cond3A_43 = arith.cmpi ne, %convert_element_type3A_41, %cond3A_42 : i32
    scf.if %cond3A_43 {
      %get3A_44 = arith.constant 0 : index
      %get3A_45 = arith.constant 0 : index
      %get3A_46 = vector.load %arg6[%get3A_44, %get3A_45] : memref<128x1xi32, #tpu.memory_space<vmem>>, vector<128x1xi32>
      %add3A_47 = arith.constant 1 : i32
      %add3A_48 = vector.broadcast %add3A_47 : i32 to vector<128x1xi32>
      %add3A_49 = arith.addi %add3A_48, %get3A_46 : vector<128x1xi32>
      %get3A_50 = arith.constant 0 : index
      %get3A_51 = arith.constant 0 : index
      %get3A_52 = vector.load %arg7[%get3A_50, %get3A_51] : memref<128x1xi32, #tpu.memory_space<vmem>>, vector<128x1xi32>
      %add3A_53 = arith.addi %add3A_49, %get3A_52 : vector<128x1xi32>
      %convert_element_type3A_54 = arith.sitofp %add3A_53 : vector<128x1xi32> to vector<128x1xf32>
      %div3A = arith.constant 1.000000e+00 : f32
      %div3A_55 = vector.broadcast %div3A : f32 to vector<128x1xf32>
      %div3A_56 = arith.divf %div3A_55, %convert_element_type3A_54 : vector<128x1xf32>
      %reduce_sum3A_57 = vector.shape_cast %div3A_56 : vector<128x1xf32> to vector<1x128x1xf32>
      %reduce_sum3A_58 = arith.constant dense<0.000000e+00> : vector<1xf32>
      %reduce_sum3A_59 = vector.multi_reduction <add>, %reduce_sum3A_57, %reduce_sum3A_58 [1, 2] : vector<1x128x1xf32> to vector<1xf32>
      %reduce_sum3A_60 = vector.shape_cast %reduce_sum3A_59 : vector<1xf32> to vector<1x1x1xf32>
      %reduce_sum3A_61 = vector.extract %reduce_sum3A_60[0, 0, 0] : f32 from vector<1x1x1xf32>
      %mul3A_62 = arith.constant 7.812500e-03 : f32
      %mul3A_63 = arith.mulf %reduce_sum3A_61, %mul3A_62 : f32
      %swap3A_64 = arith.constant 0 : index
      %swap3A_65 = arith.constant 0 : index
      %swap3A_66 = memref.load %arg4[%swap3A_64, %swap3A_65] : memref<1x1xf32, #tpu.memory_space<smem>>
      memref.store %mul3A_63, %arg4[%swap3A_64, %swap3A_65] : memref<1x1xf32, #tpu.memory_space<smem>>
    } else {
    }
    return
  }
  func.func @transform_0(%arg0: i32) -> (i32, i32) {
    %c0_i32 = arith.constant 0 : i32
    %c0_i32_0 = arith.constant 0 : i32
    %c0_i32_1 = arith.constant 0 : i32
    return %c0_i32, %c0_i32_0 : i32, i32
  }
  func.func @transform_1(%arg0: i32) -> (i32, i32) {
    %c0_i32 = arith.constant 0 : i32
    %c0_i32_0 = arith.constant 0 : i32
    %c0_i32_1 = arith.constant 0 : i32
    return %c0_i32, %c0_i32_0 : i32, i32
  }
  func.func @transform_2(%arg0: i32) -> (i32, i32) {
    %c0_i32 = arith.constant 0 : i32
    %c0_i32_0 = arith.constant 0 : i32
    return %c0_i32, %arg0 : i32, i32
  }
  func.func @transform_3(%arg0: i32) -> (i32, i32) {
    %c0_i32 = arith.constant 0 : i32
    %c0_i32_0 = arith.constant 0 : i32
    %c0_i32_1 = arith.constant 0 : i32
    return %c0_i32, %c0_i32_0 : i32, i32
  }
}

</mosaic_0001>

<sc_bundles>
// kernel: kernel.4.cloned.1.call-start
scs
__scs_entry_jumppad:
0x0: {  	(pc) =	sbr.rel $0x88, $3  }
0x1: {  	(tag) =	ssettag $0x0;
	lr =	simm.s32 $0x1  }
0x2: {  	[smem:$0x3F9F] =	sst lr;
	_ =	strace $0xD0000000  }
0x3: {  	_ = 	snop  }
0x4: {  	_ = 	snop  }
0x5: {  	_ = 	snop  }
0x6: {  	_ = 	snop  }
0x7: {  	_ = 	snop  }
__scs_overlays_trampoline_lowered:
0x8: {  	[smem:$0x3FAE] =	sst s0  }
0x9: {  	[smem:$0x3FAF] =	sst s1  }
0xa: {  	[smem:$0x3FB0] =	sst s2  }
0xb: {  	[smem:$0x3FB1] =	sst s3  }
0xc: {  	[smem:$0x3FB2] =	sst s4  }
0xd: {  	[smem:$0x3FB3] =	sst s5  }
0xe: {  	[smem:$0x3FB4] =	sst s6  }
0xf: {  	[smem:$0x3FB5] =	sst s7  }
0x10: {  	[smem:$0x3FB6] =	sst s8  }
0x11: {  	[smem:$0x3FB7] =	sst s9;
	s0 =	simm.s32 @!p0 $0x0  }
0x12: {  	s1 =	sld [smem:$0x3F9D];
	s0 =	simm.s32 @p0 $0x1  }
0x13: {  	[smem:$0x3FB8] =	sst s0;
	s0 =	simm.s32 @!p1 $0x0  }
0x14: {  	s2 =	sld [smem:$0x3F9C];
	s0 =	simm.s32 @p1 $0x1  }
0x15: {  	[smem:$0x3FB9] =	sst s0;
	s0 =	simm.s32 @!p2 $0x0  }
0x16: {  	s3 =	sld [smem:$0x3FDB];
	s0 =	simm.s32 @p2 $0x1  }
0x17: {  	s4 =	simm.s32 $0x1BF5;
	[smem:$0x3FBB] =	sst s0  }
0x18: {  	s0 =	sld [smem:$0x3F9E];
	_ =	swait.ge [sflag:s4], $0x0  }
0x19: {  	s7 =	sld [smem:$0x3F9F]  }
0x1a: {  	s8 =	sadd.s32 $0xFFFFE003, lr  }
0x1b: {  	s9 =	sadd.s32 $0xFFFFFEF7, lr;
	s5 =	simm.s32 $0xFFFFFFFF;
	p2 =	slt.u32 s8, $0xFFFFF086  }
0x1c: {  	p1 =	slt.u32 s9, $0xF7A;
	s5 =	simm.s32 @!p2 $0x0  }
0x1d: {  	s5 =	simm.s32 @p1 $0x1;
	p0 =	seq.s32 s7, s2  }
0x1e: {  	s7 =	smul.u32 @!p0 $0xF7A, s2;
	p2 =	seq.s32 @!p0 s5, $0x0  }
0x1f: {  	s9 =	smul.u32 $0xF7A, s1;
	s8 =	simm.s32 @!p0 $0x1BF5;
	p2 =	por !p2, p0  }
0x20: {  	[sflag:s8] =	ssyncset.s32 @!p0 $0xFFFFF086;
	s6 =	sadd.s32 @!p0 s3, s7;
	s7 =	simm.s32 @!p0 $0x108  }
0x21: {  	s3 =	sadd.s32 s3, s9;
	s6 =	sadd.s32 @!p0 $0x88, s6;
	s7 =	simm.s32 @p2 $0x1082  }
0x22: {  	[simem:s7], [sflag:s8] =	dma.local @!p0 [hbm:s6], $0xF7A  }
0x23: {  	s9 =	sor.u32 $0xD0000000, s2;
	s6 =	simm.s32 $0x108;
	_ =	swait.ge @!p0 [sflag:s8], $0x0  }
0x24: {  	s3 =	sadd.s32 $0x88, s3;
	s6 =	simm.s32 @!p1 $0x1082;
	[sflag:s4] =	ssyncset.s32 $0xFFFFF086  }
0x25: {  	[simem:s6], [sflag:s4] =	dma.local [hbm:s3], $0xF7A  }
0x26: {  	[smem:$0x3F9F] =	sst s1;
	(tag) =	ssettag s2;
	_ =	strace s9  }
0x27: {  	s1 =	sld [smem:$0x3FAF]  }
0x28: {  	s2 =	sld [smem:$0x3FB0]  }
0x29: {  	s4 =	sld [smem:$0x3FB2]  }
0x2a: {  	p0 =	seq.s32 s5, $0x0;
	s5 =	sld [smem:$0x3FB3]  }
0x2b: {  	s6 =	sld [smem:$0x3FB4]  }
0x2c: {  	s7 =	sld [smem:$0x3FB5]  }
0x2d: {  	s3 =	simm.s32 $0x108;
	s8 =	sld [smem:$0x3FB6]  }
0x2e: {  	s3 =	simm.s32 @!p0 $0x1082;
	s9 =	sld [smem:$0x3FB7]  }
0x2f: {  	lr =	sadd.s32 s0, s3;
	s0 =	sld [smem:$0x3FAE]  }
0x30: {  	s3 =	sld [smem:$0x3FB1]  }
0x31: {  	[smem:$0x3FBA] =	sst s10  }
0x32: {  	s10 =	sld [smem:$0x3FB8];
	_ =	sdelay $0x3  }
0x33: {  	p0 =	seq.s32 s10, $0x1;
	s10 =	sld [smem:$0x3FBA];
	_ =	sdelay $0x3  }
0x34: {  	[smem:$0x3FBA] =	sst s10  }
0x35: {  	s10 =	sld [smem:$0x3FB9];
	_ =	sdelay $0x3  }
0x36: {  	p1 =	seq.s32 s10, $0x1;
	s10 =	sld [smem:$0x3FBA];
	_ =	sdelay $0x3  }
0x37: {  	[smem:$0x3FBA] =	sst s10  }
0x38: {  	s10 =	sld [smem:$0x3FBB]  }
0x39: {  	_ = 	snop;
	(pc) =	sbr.ind lr, $3  }
0x3a: {  	_ = 	snop  }
0x3b: {  	_ = 	snop  }
0x3c: {  	p2 =	seq.s32 s10, $0x1;
	s10 =	sld [smem:$0x3FBA]  }
0x3d: {  	_ =	shalt  }
0x3e: {  	_ =	shalt  }
0x3f: {  	_ =	shalt  }
0x40: {  	_ =	shalt  }
0x41: {  	_ =	shalt  }
0x42: {  	_ =	shalt  }
0x43: {  	_ =	shalt  }
0x44: {  	_ =	shalt  }
0x45: {  	_ =	shalt  }
0x46: {  	_ =	shalt  }
0x47: {  	_ =	shalt  }
0x48: {  	_ =	shalt  }
0x49: {  	_ =	shalt  }
0x4a: {  	_ =	shalt  }
0x4b: {  	_ =	shalt  }
0x4c: {  	_ =	shalt  }
0x4d: {  	_ =	shalt  }
0x4e: {  	_ =	shalt  }
0x4f: {  	_ =	shalt  }
0x50: {  	_ =	shalt  }
0x51: {  	_ =	shalt  }
0x52: {  	_ =	shalt  }
0x53: {  	_ =	shalt  }
0x54: {  	_ =	shalt  }
0x55: {  	_ =	shalt  }
0x56: {  	_ =	shalt  }
0x57: {  	_ =	shalt  }
0x58: {  	_ =	shalt  }
0x59: {  	_ =	shalt  }
0x5a: {  	_ =	shalt  }
0x5b: {  	_ =	shalt  }
0x5c: {  	_ =	shalt  }
0x5d: {  	_ =	shalt  }
0x5e: {  	_ =	shalt  }
0x5f: {  	_ =	shalt  }
0x60: {  	_ =	shalt  }
0x61: {  	_ =	shalt  }
0x62: {  	_ =	shalt  }
0x63: {  	_ =	shalt  }
0x64: {  	_ =	shalt  }
0x65: {  	_ =	shalt  }
0x66: {  	_ =	shalt  }
0x67: {  	_ =	shalt  }
0x68: {  	_ =	shalt  }
0x69: {  	_ =	shalt  }
0x6a: {  	_ =	shalt  }
0x6b: {  	_ =	shalt  }
0x6c: {  	_ =	shalt  }
0x6d: {  	_ =	shalt  }
0x6e: {  	_ =	shalt  }
0x6f: {  	_ =	shalt  }
0x70: {  	_ =	shalt  }
0x71: {  	_ =	shalt  }
0x72: {  	_ =	shalt  }
0x73: {  	_ =	shalt  }
0x74: {  	_ =	shalt  }
0x75: {  	_ =	shalt  }
0x76: {  	_ =	shalt  }
0x77: {  	_ =	shalt  }
0x78: {  	_ =	shalt  }
0x79: {  	_ =	shalt  }
0x7a: {  	_ =	shalt  }
0x7b: {  	_ =	shalt  }
0x7c: {  	_ =	shalt  }
0x7d: {  	_ =	shalt  }
0x7e: {  	_ =	shalt  }
0x7f: {  	_ =	shalt  }
0x80: {  	_ =	shalt  }
0x81: {  	_ =	shalt  }
0x82: {  	_ =	shalt  }
0x83: {  	_ =	shalt  }
0x84: {  	_ =	shalt  }
0x85: {  	_ =	shalt  }
0x86: {  	_ =	shalt  }
0x87: {  	_ =	shalt  }
.Lfunc_end0:
.L_simem_size_0:
called_computation_lowered:
.L_overlay_start_0:
0x88: {  	s2 =	sld [smem:$0x3FD9]  }
0x89: {  	s3 =	sld [smem:$0x3FFE];
	_ =	sdelay $0x1  }
0x8a: {  	s1 =	srdreg.scid  }
0x8b: {  	s0 =	sand.u32 $0x1, s1  }
0x8c: {  	s17 =	sshll.u32 s0, $0xA;
	s2 =	sadd.s32 s3, s2  }
0x8d: {  	s2 =	sadd.s32 s2, s17  }
0x8e: {  	[smem:$0x3FC6] =	sst s2  }
0x8f: {  	_ = 	snop  }
0x90: {  	s2 =	sld [smem:$0x3FC8];
	(tm) =	ssettm $0x1  }
0x91: {  	s18 =	sld [smem:$0x3FFB];
	_ =	sdelay $0x3  }
0x92: {  	_ =	strace s18  }
0x93: {  	s3 =	sld [smem:$0x3FFC];
	_ =	sdelay $0x3  }
0x94: {  	_ =	strace s3  }
0x95: {  	s3 =	sld [smem:$0x3FFD];
	_ =	sdelay $0x3  }
0x96: {  	_ =	strace s3  }
0x97: {  	_ =	strace $0x8FFFFFFF  }
0x98: {  	s19 =	sld [smem:$0x3FDB];
	_ =	sdelay $0x1  }
0x99: {  	s4 =	simm.s32 $_scs_section_size  }
0x9a: {  	s5 =	simm.s32 $_size__tile_overlayer_lowered;
	s6 =	simm.s32 $_tile_overlayer_lowered  }
0x9b: {  	s22 =	simm.s32 $0x1BFF;
	s21 =	sshll.u32 s6, $0x1;
	s3 =	sadd.s32 s4, s19  }
0x9c: {  	s7 =	simm.s32 $0x0;
	s20 =	sshll.u32 s5, $0x1;
	s5 =	sadd.s32 s21, s3  }
0x9d: {  	[timem:s7], [sflag:s22] =	dma.local [hbm:s5], s20  }
0x9e: {  	_ =	swait.ge [sflag:s22], s20  }
0x9f: {  	s4 =	ssub.s32 $0x0, s20;
	[sflag:s22] =	ssyncset.done $0x0  }
0xa0: {  	[sflag:s22] =	ssyncadd.s32 s4;
	_ =	sdelay $0x1  }
0xa1: {  	s23 =	simm.s32 $0x1B8B  }
0xa2: {  	_ =	swait.ge [sflag:s23], $0x1  }
0xa3: {  	[sflag:s23] =	ssyncset.done $0x0  }
0xa4: {  	s25 =	simm.s32 $0x1B8E;
	s24 =	sld [smem:$0x3FFE];
	[sflag:s23] =	ssyncadd.s32 $0xFFFFFFFF  }
0xa5: {  	s26 =	simm.s32 $execute0_lowered;
	[smem:$0x3FD2] =	sst s25  }
0xa6: {  	s5 =	sshll.u32 s26, $0x1;
	_ =	strace $0x80000046;
	[dreg:$0x1] =	wrdreg $0xFFFFFFFF  }
0xa7: {  	s28 =	simm.s32 $_size_execute0_lowered;
	s3 =	sadd.s32 s3, s5;
	[dreg:$0x0] =	wrdreg $0x0  }
0xa8: {  	s5 =	sshll.u32 s28, $0x1;
	[dreg:$0x2] =	wrdreg s3  }
0xa9: {  	[dreg:$0x3] =	wrdreg s5  }
0xaa: {  	[dreg:$0x4] =	wrdreg $0xC0  }
0xab: {  	_ =	task [dreg:s7], $0x5FFFF  }
0xac: {  	[dreg:$0x1] =	wrdreg $0xFFFFFFFF  }
0xad: {  	[dreg:$0x0] =	wrdreg $0x60  }
0xae: {  	[dreg:$0x2] =	wrdreg s24  }
0xaf: {  	[dreg:$0x3] =	wrdreg s2  }
0xb0: {  	[dreg:$0x4] =	wrdreg $0x9  }
0xb1: {  	_ =	task.clear_ibuf [dreg:s7], $0x5FFFF;
	_ =	strace $0x90000046  }
0xb2: {  	s29 =	simm.s32 $0x9;
	_ =	strace $0x80000048  }
0xb3: {  	_ =	swait.ge [sflag:s29], $0x1  }
0xb4: {  	[sflag:s29] =	ssyncadd.s32 $0xFFFFFFFF  }
0xb5: {  	_ =	strace $0x90000048  }
0xb6: {  	_ =	sfence  }
0xb7: {  	s30 =	sld [smem:$0x0];
	_ =	sdelay $0x2  }
0xb8: {  	s31 =	sshll.u32 s1, $0xD;
	s1 =	sshrl.u32 s1, $0x2  }
0xb9: {  	s3 =	sand.u32 $0x4000, s31;
	s1 =	sadd.s32 s1, s30  }
0xba: {  	s0 =	sor.u32 s3, s0;
	s1 =	sshll.u32 s1, $0x11  }
0xbb: {  	s0 =	sor.u32 s1, s0  }
0xbc: {  	s0 =	sadd.s32 $0x8F2B, s0  }
0xbd: {  	[sflag:s0] =	ssyncadd.remote.s32 $0x1  }
0xbe: {  	_ =	sfence.sel $0xFFFF  }
0xbf: {  	[dreg:$0x0] =	wrdreg $0xFFFFFFFF;
	(pc) =	sbr.abs _section_cstart, $3  }
0xc0: {  	[dreg:$0x1] =	wrdreg $0xFFFFFFFF  }
0xc1: {  	_ =	task.clear_ibuf [dreg:s7], $0x2FFFF;
	_ =	strace $0x9FFFFFFF  }
0xc2: {  	(tm) =	ssettm $0x7FFFFFFF  }
0xc3: {  	_ =	shalt  }
tec
execute0_lowered:
.L_overlay_start_1:
0x0: {  	(tag) =	ssettag $0x1  }
0x1: {  	s1 =	stileid.u32  }
0x2: {  	p0 =	sgt.u32 s1, $0x3  }
.Ltmp0:
0x3: {  	_ = 	snop;
	(pc) =	sbr.rel @p0 .LBB2_4-.Ltmp0, $4  }
0x4: {  	s10 =	rddreg [dreg:$0x0]  }
0x5: {  	s3 =	rddreg [dreg:$0x1];
	s2 =	simm.s32 $0x0  }
0x6: {  	[smem:$0x7FF] =	sst s2  }
0x7: {  	s0 =	rddreg [dreg:$0x2];
	_ =	strace $0x80000047  }
0x8: {  	s4 =	srdreg.scid  }
0x9: {  	s29 =	sshll.u32 s1, $0x1;
	s6 =	sand.u32 $0x1, s4  }
0xa: {  	s11 =	sor.u32 s6, s29  }
0xb: {  	s4 =	sshll.u32 s11, $0x1  }
0xc: {  	s4 =	sadd.s32 s3, s4;
	s3 =	simm.s32 $0x2  }
0xd: {  	[tilespmem:s2], [sflag:$0x2] =	stream.linear.gather [hbm4b:s4+s2], $0x10, $0x38;
	[tilespmem:$0x900] =	vst v63  }
0xe: {  	_ =	swait.ge [sflag:s3], $0x10  }
0xf: {  	s5 =	sshll.u32 s11, $0x4;
	[sflag:s3] =	ssyncset.done $0x0  }
0x10: {  	v0 =	vmov s5;
	[sflag:s3] =	ssyncadd.s32 $0xFFFFFFF0  }
0x11: {  	v0 =	vmul.u32 $0x186A0, v0;
	v1 =	vld [tilespmem:$0x0]  }
0x12: {  	v2 =	vlaneseq.u32  }
0x13: {  	v2 =	vmul.u32 $0x186A0, v2;
	v0 =	vbroadcast v0, $0x0;
	_ =	sdelay $0x1  }
0x14: {  	s7 =	simm.s32 $0x80;
	s12 =	ssub.s32 $0x2, s6;
	v0 =	vadd.s32 v2, v0  }
0x15: {  	s8 =	simm.s32 $0x100;
	s9 =	simm.s32 $0x1;
	s13 =	sshrl.u32 s12, $0x1;
	v1 =	vadd.s32 v1, v0  }
0x16: {  	s6 =	simm.s32 $0x10;
	s11 =	sshll.u32 s11, $0x8;
	s31 =	ssub.s32 s12, s13;
	v1 =	vshra.s32 v1, $0x7  }
0x17: {  	s5 =	sadd.s32 $0x187800, s10;
	s30 =	sadd.s32 s11, s10;
	s11 =	smax.u32 s31, $0x1;
	[tilespmem:$0x80] =	vst v1  }
0x18: {  	[tilespmem:s8], [sflag:$0x1] =	stream.indirect.gather [hbm4b:s5+s6], $0x80, s7, s6, $0xb8;
	[tilespmem:$0x900] =	vst v63  }
0x19: {  	p0 =	sne.s32 s11, $0x1;
	_ =	swait.ge [sflag:s9], $0x800  }
.Ltmp1:
0x1a: {  	[sflag:s9] =	ssyncset.done $0x0;
	(pc) =	sbr.rel @!p0 .LBB2_3-.Ltmp1, $4  }
0x1b: {  	s10 =	sadd.s32 $0x30E200, s30;
	[sflag:s9] =	ssyncadd.s32 $0xFFFFF800  }
0x1c: {  	[hbm4b:s10+s2] =	stream.linear.scatter [tilespmem:s8], [sflag:$0x2], $0x800, $0x38;
	[tilespmem:$0x900] =	vst v63  }
0x1d: {  	_ =	swait.ge [sflag:s3], $0x800  }
0x1e: {  	s11 =	sadd.s32 $0xFFFFFFFF, s11;
	[sflag:s3] =	ssyncset.done $0x0  }
.LBB2_2:
0x1f: {  	p0 =	sne.s32 s11, $0x1;
	s11 =	sadd.s32 $0xFFFFFFFF, s11;
	[sflag:s3] =	ssyncadd.s32 $0xFFFFF800  }
0x20: {  	[tilespmem:s2], [sflag:$0x2] =	stream.linear.gather [hbm4b:s4+s2], $0x10, $0x38;
	[tilespmem:$0x900] =	vst v63  }
0x21: {  	_ =	swait.ge [sflag:s3], $0x10  }
0x22: {  	[sflag:s3] =	ssyncset.done $0x0  }
0x23: {  	[sflag:s3] =	ssyncadd.s32 $0xFFFFFFF0  }
0x24: {  	v1 =	vld [tilespmem:$0x0];
	_ =	sdelay $0x4  }
0x25: {  	v1 =	vadd.s32 v1, v0  }
0x26: {  	v1 =	vshra.s32 v1, $0x7  }
0x27: {  	[tilespmem:$0x80] =	vst v1  }
0x28: {  	[tilespmem:s8], [sflag:$0x1] =	stream.indirect.gather [hbm4b:s5+s6], $0x80, s7, s6, $0xb8;
	[tilespmem:$0x900] =	vst v63  }
0x29: {  	_ =	swait.ge [sflag:s9], $0x800  }
.Ltmp2:
0x2a: {  	[sflag:s9] =	ssyncset.done $0x0;
	(pc) =	sbr.rel @p0 .LBB2_2-.Ltmp2, $4  }
0x2b: {  	[sflag:s9] =	ssyncadd.s32 $0xFFFFF800  }
0x2c: {  	[hbm4b:s10+s2] =	stream.linear.scatter [tilespmem:s8], [sflag:$0x2], $0x800, $0x38;
	[tilespmem:$0x900] =	vst v63  }
0x2d: {  	_ =	swait.ge [sflag:s3], $0x800  }
0x2e: {  	[sflag:s3] =	ssyncset.done $0x0  }
.LBB2_3:
0x2f: {  	[sflag:s3] =	ssyncadd.s32 $0xFFFFF800  }
.LBB2_4:
0x30: {  	_ =	sfence.sel $0x180000  }
0x31: {  	[bflag:$0x0] =	sbarrier.arrive $0xFFFF  }
0x32: {  	p0 =	sne.s32 s1, $0x0;
	_ =	strace $0x90000047  }
0x33: {  	s0 =	sadd.s32 @!p0 $0x100000, s0;
	[bflag:$0x2] =	sbarrier.arrive $0xFFFF  }
0x34: {  	[sflag:s0] =	ssyncadd.tile.s32 @!p0 $0x1;
	_ =	shalt  }
.Lfunc_end2:
_tile_overlayer_lowered:
.L_overlay_start_2:
0x35: {  	(tag) =	ssettag $0x2  }
0x36: {  	s0 =	rddreg [dreg:$0x0];
	s2 =	stileid.u32  }
0x37: {  	s1 =	rddreg [dreg:$0x1];
	p0 =	sne.s32 s2, $0x0  }
0x38: {  	s3 =	rddreg [dreg:$0x2];
	[bflag:$0x3] =	sbarrier.arrive $0xFFFF;
	s2 =	simm.s32 @!p0 $0x1C02  }
0x39: {  	[timem:s3], [sflag:s2] =	dma.local @!p0 [hbm:s0], s1  }
0x3a: {  	s0 =	simm.s32 @!p0 $0x2  }
0x3b: {  	_ =	swait.ge @!p0 [sflag:s0], s1  }
0x3c: {  	s1 =	ssub.s32 @!p0 $0x0, s1;
	[sflag:s0] =	ssyncset.done @!p0 $0x0  }
0x3d: {  	[sflag:s0] =	ssyncadd.s32 @!p0 s1  }
0x3e: {  	[bflag:$0x3] =	sbarrier.arrive $0xFFFF  }
0x3f: {  	_ =	shalt  }

</sc_bundles>
